<compile_context>
chip_gen: v7x
topology: tpu7x:2x2x1
jax: 0.10.2.dev20260603
libtpu: 0.0.44.dev20260713+nightly
codegen_flags: <defaults>
</compile_context>

<pallas_src>
import functools

import jax
import jax.numpy as jnp
from jax import lax
from jax.experimental import pallas as pl
from jax.experimental.pallas import tpu as pltpu
from jax.experimental.pallas import tpu_sc as plsc

NC, NS = 2, 16
NW = NC * NS
D = 1024
C = 32
G = 24
R = C * G


def _sc_body(m_hbm, out_hbm, buf0, buf1, sem0, sem1):
    c = lax.axis_index("c")
    s = lax.axis_index("s")
    wid = s * NC + c
    base = wid * R

    def start(buf, sem, ch):
        pltpu.make_async_copy(m_hbm.at[pl.ds(base + ch * C, C)], buf, sem).start()

    def wait(buf, sem, ch):
        pltpu.make_async_copy(m_hbm.at[pl.ds(base + ch * C, C)], buf, sem).wait()

    start(buf0, sem0, 0)
    start(buf1, sem1, 1)

    def body(p, carry):
        wait(buf0, sem0, 2 * p)
        start(buf0, sem0, 2 * p + 2)
        wait(buf1, sem1, 2 * p + 1)
        start(buf1, sem1, 2 * p + 3)
        return carry

    lax.fori_loop(0, G // 2 - 1, body, jnp.int32(0))
    wait(buf0, sem0, G - 2)
    wait(buf1, sem1, G - 1)
    pltpu.sync_copy(buf0.at[0, pl.ds(0, 16)], out_hbm.at[wid])


def _tc_body(m_ref, o_ref, acc_ref):
    i = pl.program_id(0)

    @pl.when(i == 0)
    def _init():
        acc_ref[...] = jnp.zeros_like(acc_ref)

    acc_ref[...] += m_ref[0:8, :]

    @pl.when(i == pl.num_programs(0) - 1)
    def _fin():
        o_ref[...] = acc_ref[0, :]


@jax.jit
def kernel(query, memory):
    mesh = plsc.VectorSubcoreMesh(core_axis_name="c", subcore_axis_name="s")
    f = pl.kernel(
        _sc_body,
        out_type=jax.ShapeDtypeStruct((NW, 16), jnp.float32),
        mesh=mesh,
        scratch_types=[
            pltpu.VMEM((C, D), jnp.float32),
            pltpu.VMEM((C, D), jnp.float32),
            pltpu.SemaphoreType.DMA,
            pltpu.SemaphoreType.DMA,
        ],
    )
    mem_sc = jax.lax.slice(memory, (0, 0), (NW * R, D)) * 1.0000001
    out = f(mem_sc)

    b = 2000
    off = 12
    tc_out = pl.pallas_call(
        _tc_body,
        grid=(38,),
        in_specs=[pl.BlockSpec((b, D), lambda i: (i + off, 0))],
        out_specs=pl.BlockSpec((D,), lambda i: (0,)),
        out_shape=jax.ShapeDtypeStruct((D,), jnp.float32),
        scratch_shapes=[pltpu.VMEM((8, D), jnp.float32)],
    )(memory)
    return tc_out + jnp.full((D,), out[0, 0], jnp.float32)

# --- scband reference (transcript-rebuilt; emitter-appended) ---
"""Pipeline reference for scband-neural-mem2-16106127360473 (READ-ONLY COPY).

The authoritative reference and input builder live on the scoring server;
editing this copy changes nothing except your own understanding.
"""

import jax, jax.numpy as jnp
import numpy as np

IN_FEATURES = 1024
NUM_PATTERNS = 100000


def setup_inputs(seed: int = 0) -> dict:
    key = jax.random.key(seed)
    k_q, k_m = jax.random.split(key)
    query = jax.random.normal(k_q, (IN_FEATURES,), dtype=jnp.float32)
    # nn.Parameter(torch.rand(num_patterns, in_features)) -> uniform [0,1)
    memory = jax.random.uniform(k_m, (NUM_PATTERNS, IN_FEATURES), dtype=jnp.float32)
    return {"query": query, "memory": memory}


def reference(query, memory):
    # query.unsqueeze(0) -> [1, d]; cosine_similarity(q, memory, dim=1) -> [K]
    q = query[None, :]
    dots = jnp.sum(q * memory, axis=1)  # [K]
    q_norm = jnp.linalg.norm(q, axis=1)  # [1] broadcasts
    m_norm = jnp.linalg.norm(memory, axis=1)  # [K]
    eps = 1e-8
    sims = dots / jnp.maximum(q_norm * m_norm, eps)
    amax = jnp.argmax(sims)
    out = memory[amax]
    return out

if __name__ == "__main__":
    import jax
    _d = setup_inputs()
    print(jax.jit(kernel)(*tuple(_d.values())))

</pallas_src>

<mosaic_0001>
#map = affine_map<(d0, d1) -> (0, 0)>
module attributes {stable_mosaic.version = 14 : i64} {
  func.func @_sc_body(%arg0: i32, %arg1: i32, %arg2: memref<24576x1024xf32, #tpu.memory_space<hbm>>, %arg3: memref<32x16xf32, #tpu.memory_space<hbm>>, %arg4: memref<32x1024xf32, #tpu.memory_space<vmem>>, %arg5: memref<32x1024xf32, #tpu.memory_space<vmem>>, %arg6: memref<!tpu.dma_semaphore, #tpu.memory_space<semaphore_mem>>, %arg7: memref<!tpu.dma_semaphore, #tpu.memory_space<semaphore_mem>>) attributes {dimension_semantics = [#tpu.dimension_semantics<core_parallel>, #tpu.dimension_semantics<subcore_parallel>], iteration_bounds = array<i64: 2, 16>, scalar_prefetch = 0 : i64, scratch_operands = 4 : i64, tpu.core_type = #tpu.core_type<sc_vector_subcore>, window_params = [{transform_indices = #map}, {transform_indices = #map}]} {
    %mul3A = arith.constant 2 : i32
    %mul3A_0 = arith.muli %arg1, %mul3A : i32
    %add3A = arith.addi %mul3A_0, %arg0 : i32
    %mul3A_1 = arith.constant 768 : i32
    %mul3A_2 = arith.muli %add3A, %mul3A_1 : i32
    %add3A_3 = arith.constant 0 : i32
    %add3A_4 = arith.addi %mul3A_2, %add3A_3 : i32
    %dma_start3A = arith.constant 0 : i32
    %dma_start3A_5 = tpu.memref_slice %arg2[%add3A_4, %dma_start3A] : memref<24576x1024xf32, #tpu.memory_space<hbm>> -> memref<32x1024xf32, #tpu.memory_space<hbm>>
    %dma_start3A_6 = arith.constant 0 : i32
    %dma_start3A_7 = tpu.memref_slice %arg2[%add3A_4, %dma_start3A_6] : memref<24576x1024xf32, #tpu.memory_space<hbm>> -> memref<32x1024xf32, #tpu.memory_space<hbm>>
    tpu.enqueue_dma source(%dma_start3A_7 : memref<32x1024xf32, #tpu.memory_space<hbm>>) target(%arg4 : memref<32x1024xf32, #tpu.memory_space<vmem>>) target_semaphore(%arg6 : memref<!tpu.dma_semaphore, #tpu.memory_space<semaphore_mem>>)
    %add3A_8 = arith.constant 32 : i32
    %add3A_9 = arith.addi %mul3A_2, %add3A_8 : i32
    %dma_start3A_10 = arith.constant 0 : i32
    %dma_start3A_11 = tpu.memref_slice %arg2[%add3A_9, %dma_start3A_10] : memref<24576x1024xf32, #tpu.memory_space<hbm>> -> memref<32x1024xf32, #tpu.memory_space<hbm>>
    %dma_start3A_12 = arith.constant 0 : i32
    %dma_start3A_13 = tpu.memref_slice %arg2[%add3A_9, %dma_start3A_12] : memref<24576x1024xf32, #tpu.memory_space<hbm>> -> memref<32x1024xf32, #tpu.memory_space<hbm>>
    tpu.enqueue_dma source(%dma_start3A_13 : memref<32x1024xf32, #tpu.memory_space<hbm>>) target(%arg5 : memref<32x1024xf32, #tpu.memory_space<vmem>>) target_semaphore(%arg7 : memref<!tpu.dma_semaphore, #tpu.memory_space<semaphore_mem>>)
    %scan3A = arith.constant 0 : i32
    %scan3A_14 = arith.constant 0 : i32
    %scan3A_15 = arith.constant 11 : i32
    %scan3A_16 = arith.addi %scan3A_14, %scan3A_15 : i32
    %scan3A_17 = arith.constant 1 : i32
    scf.for %scan3A_30 = %scan3A_14 to %scan3A_16 step %scan3A_17  : i32 {
      %mul3A_31 = arith.constant 2 : i32
      %mul3A_32 = arith.muli %mul3A_31, %scan3A_30 : i32
      %mul3A_33 = arith.constant 32 : i32
      %mul3A_34 = arith.muli %mul3A_32, %mul3A_33 : i32
      %add3A_35 = arith.addi %mul3A_2, %mul3A_34 : i32
      %dma_wait3A_36 = arith.constant 0 : i32
      %dma_wait3A_37 = tpu.memref_slice %arg2[%add3A_35, %dma_wait3A_36] : memref<24576x1024xf32, #tpu.memory_space<hbm>> -> memref<32x1024xf32, #tpu.memory_space<hbm>>
      %dma_wait3A_38 = arith.constant 0 : i32
      %dma_wait3A_39 = tpu.memref_slice %arg2[%add3A_35, %dma_wait3A_38] : memref<24576x1024xf32, #tpu.memory_space<hbm>> -> memref<32x1024xf32, #tpu.memory_space<hbm>>
      tpu.wait_dma2 semaphore(%arg6 : memref<!tpu.dma_semaphore, #tpu.memory_space<semaphore_mem>>) src(%dma_wait3A_39 : memref<32x1024xf32, #tpu.memory_space<hbm>>) dst(%arg4 : memref<32x1024xf32, #tpu.memory_space<vmem>>)
      %mul3A_40 = arith.constant 2 : i32
      %mul3A_41 = arith.muli %mul3A_40, %scan3A_30 : i32
      %add3A_42 = arith.constant 2 : i32
      %add3A_43 = arith.addi %mul3A_41, %add3A_42 : i32
      %mul3A_44 = arith.constant 32 : i32
      %mul3A_45 = arith.muli %add3A_43, %mul3A_44 : i32
      %add3A_46 = arith.addi %mul3A_2, %mul3A_45 : i32
      %dma_start3A_47 = arith.constant 0 : i32
      %dma_start3A_48 = tpu.memref_slice %arg2[%add3A_46, %dma_start3A_47] : memref<24576x1024xf32, #tpu.memory_space<hbm>> -> memref<32x1024xf32, #tpu.memory_space<hbm>>
      %dma_start3A_49 = arith.constant 0 : i32
      %dma_start3A_50 = tpu.memref_slice %arg2[%add3A_46, %dma_start3A_49] : memref<24576x1024xf32, #tpu.memory_space<hbm>> -> memref<32x1024xf32, #tpu.memory_space<hbm>>
      tpu.enqueue_dma source(%dma_start3A_50 : memref<32x1024xf32, #tpu.memory_space<hbm>>) target(%arg4 : memref<32x1024xf32, #tpu.memory_space<vmem>>) target_semaphore(%arg6 : memref<!tpu.dma_semaphore, #tpu.memory_space<semaphore_mem>>)
      %mul3A_51 = arith.constant 2 : i32
      %mul3A_52 = arith.muli %mul3A_51, %scan3A_30 : i32
      %add3A_53 = arith.constant 1 : i32
      %add3A_54 = arith.addi %mul3A_52, %add3A_53 : i32
      %mul3A_55 = arith.constant 32 : i32
      %mul3A_56 = arith.muli %add3A_54, %mul3A_55 : i32
      %add3A_57 = arith.addi %mul3A_2, %mul3A_56 : i32
      %dma_wait3A_58 = arith.constant 0 : i32
      %dma_wait3A_59 = tpu.memref_slice %arg2[%add3A_57, %dma_wait3A_58] : memref<24576x1024xf32, #tpu.memory_space<hbm>> -> memref<32x1024xf32, #tpu.memory_space<hbm>>
      %dma_wait3A_60 = arith.constant 0 : i32
      %dma_wait3A_61 = tpu.memref_slice %arg2[%add3A_57, %dma_wait3A_60] : memref<24576x1024xf32, #tpu.memory_space<hbm>> -> memref<32x1024xf32, #tpu.memory_space<hbm>>
      tpu.wait_dma2 semaphore(%arg7 : memref<!tpu.dma_semaphore, #tpu.memory_space<semaphore_mem>>) src(%dma_wait3A_61 : memref<32x1024xf32, #tpu.memory_space<hbm>>) dst(%arg5 : memref<32x1024xf32, #tpu.memory_space<vmem>>)
      %mul3A_62 = arith.constant 2 : i32
      %mul3A_63 = arith.muli %mul3A_62, %scan3A_30 : i32
      %add3A_64 = arith.constant 3 : i32
      %add3A_65 = arith.addi %mul3A_63, %add3A_64 : i32
      %mul3A_66 = arith.constant 32 : i32
      %mul3A_67 = arith.muli %add3A_65, %mul3A_66 : i32
      %add3A_68 = arith.addi %mul3A_2, %mul3A_67 : i32
      %dma_start3A_69 = arith.constant 0 : i32
      %dma_start3A_70 = tpu.memref_slice %arg2[%add3A_68, %dma_start3A_69] : memref<24576x1024xf32, #tpu.memory_space<hbm>> -> memref<32x1024xf32, #tpu.memory_space<hbm>>
      %dma_start3A_71 = arith.constant 0 : i32
      %dma_start3A_72 = tpu.memref_slice %arg2[%add3A_68, %dma_start3A_71] : memref<24576x1024xf32, #tpu.memory_space<hbm>> -> memref<32x1024xf32, #tpu.memory_space<hbm>>
      tpu.enqueue_dma source(%dma_start3A_72 : memref<32x1024xf32, #tpu.memory_space<hbm>>) target(%arg5 : memref<32x1024xf32, #tpu.memory_space<vmem>>) target_semaphore(%arg7 : memref<!tpu.dma_semaphore, #tpu.memory_space<semaphore_mem>>)
    }
    %scan3A_18 = arith.constant 11 : i32
    %add3A_19 = arith.constant 704 : i32
    %add3A_20 = arith.addi %mul3A_2, %add3A_19 : i32
    %dma_wait3A = arith.constant 0 : i32
    %dma_wait3A_21 = tpu.memref_slice %arg2[%add3A_20, %dma_wait3A] : memref<24576x1024xf32, #tpu.memory_space<hbm>> -> memref<32x1024xf32, #tpu.memory_space<hbm>>
    %dma_wait3A_22 = arith.constant 0 : i32
    %dma_wait3A_23 = tpu.memref_slice %arg2[%add3A_20, %dma_wait3A_22] : memref<24576x1024xf32, #tpu.memory_space<hbm>> -> memref<32x1024xf32, #tpu.memory_space<hbm>>
    tpu.wait_dma2 semaphore(%arg6 : memref<!tpu.dma_semaphore, #tpu.memory_space<semaphore_mem>>) src(%dma_wait3A_23 : memref<32x1024xf32, #tpu.memory_space<hbm>>) dst(%arg4 : memref<32x1024xf32, #tpu.memory_space<vmem>>)
    %add3A_24 = arith.constant 736 : i32
    %add3A_25 = arith.addi %mul3A_2, %add3A_24 : i32
    %dma_wait3A_26 = arith.constant 0 : i32
    %dma_wait3A_27 = tpu.memref_slice %arg2[%add3A_25, %dma_wait3A_26] : memref<24576x1024xf32, #tpu.memory_space<hbm>> -> memref<32x1024xf32, #tpu.memory_space<hbm>>
    %dma_wait3A_28 = arith.constant 0 : i32
    %dma_wait3A_29 = tpu.memref_slice %arg2[%add3A_25, %dma_wait3A_28] : memref<24576x1024xf32, #tpu.memory_space<hbm>> -> memref<32x1024xf32, #tpu.memory_space<hbm>>
    tpu.wait_dma2 semaphore(%arg7 : memref<!tpu.dma_semaphore, #tpu.memory_space<semaphore_mem>>) src(%dma_wait3A_29 : memref<32x1024xf32, #tpu.memory_space<hbm>>) dst(%arg5 : memref<32x1024xf32, #tpu.memory_space<vmem>>)
    %run_scoped3A = arith.constant 0 : i32
    "tpu.region"() ({
      %run_scoped3A_30 = tpu.sem_alloc : memref<!tpu.dma_semaphore, #tpu.memory_space<semaphore_mem>>
      %dma_start3A_31 = arith.constant 0 : i32
      %dma_start3A_32 = tpu.memref_slice %arg4[%run_scoped3A, %dma_start3A_31] : memref<32x1024xf32, #tpu.memory_space<vmem>> -> memref<1x16xf32, #tpu.memory_space<vmem>>
      %dma_start3A_33 = tpu.memref_squeeze %dma_start3A_32 : memref<1x16xf32, #tpu.memory_space<vmem>> -> memref<16xf32, #tpu.memory_space<vmem>>
      %dma_start3A_34 = arith.constant 0 : i32
      %dma_start3A_35 = tpu.memref_slice %arg3[%add3A, %dma_start3A_34] : memref<32x16xf32, #tpu.memory_space<hbm>> -> memref<1x16xf32, #tpu.memory_space<hbm>>
      %dma_start3A_36 = tpu.memref_squeeze %dma_start3A_35 : memref<1x16xf32, #tpu.memory_space<hbm>> -> memref<16xf32, #tpu.memory_space<hbm>>
      %dma_start3A_37 = arith.constant 0 : i32
      %dma_start3A_38 = tpu.memref_slice %arg3[%add3A, %dma_start3A_37] : memref<32x16xf32, #tpu.memory_space<hbm>> -> memref<1x16xf32, #tpu.memory_space<hbm>>
      %dma_start3A_39 = tpu.memref_squeeze %dma_start3A_38 : memref<1x16xf32, #tpu.memory_space<hbm>> -> memref<16xf32, #tpu.memory_space<hbm>>
      %dma_start3A_40 = arith.constant 0 : i32
      %dma_start3A_41 = tpu.memref_slice %arg4[%run_scoped3A, %dma_start3A_40] : memref<32x1024xf32, #tpu.memory_space<vmem>> -> memref<1x16xf32, #tpu.memory_space<vmem>>
      %dma_start3A_42 = tpu.memref_squeeze %dma_start3A_41 : memref<1x16xf32, #tpu.memory_space<vmem>> -> memref<16xf32, #tpu.memory_space<vmem>>
      tpu.enqueue_dma source(%dma_start3A_42 : memref<16xf32, #tpu.memory_space<vmem>>) target(%dma_start3A_39 : memref<16xf32, #tpu.memory_space<hbm>>) target_semaphore(%run_scoped3A_30 : memref<!tpu.dma_semaphore, #tpu.memory_space<semaphore_mem>>)
      %dma_wait3A_43 = arith.constant 0 : i32
      %dma_wait3A_44 = tpu.memref_slice %arg4[%run_scoped3A, %dma_wait3A_43] : memref<32x1024xf32, #tpu.memory_space<vmem>> -> memref<1x16xf32, #tpu.memory_space<vmem>>
      %dma_wait3A_45 = tpu.memref_squeeze %dma_wait3A_44 : memref<1x16xf32, #tpu.memory_space<vmem>> -> memref<16xf32, #tpu.memory_space<vmem>>
      %dma_wait3A_46 = arith.constant 0 : i32
      %dma_wait3A_47 = tpu.memref_slice %arg3[%add3A, %dma_wait3A_46] : memref<32x16xf32, #tpu.memory_space<hbm>> -> memref<1x16xf32, #tpu.memory_space<hbm>>
      %dma_wait3A_48 = tpu.memref_squeeze %dma_wait3A_47 : memref<1x16xf32, #tpu.memory_space<hbm>> -> memref<16xf32, #tpu.memory_space<hbm>>
      %dma_wait3A_49 = arith.constant 0 : i32
      %dma_wait3A_50 = tpu.memref_slice %arg3[%add3A, %dma_wait3A_49] : memref<32x16xf32, #tpu.memory_space<hbm>> -> memref<1x16xf32, #tpu.memory_space<hbm>>
      %dma_wait3A_51 = tpu.memref_squeeze %dma_wait3A_50 : memref<1x16xf32, #tpu.memory_space<hbm>> -> memref<16xf32, #tpu.memory_space<hbm>>
      %dma_wait3A_52 = arith.constant 0 : i32
      %dma_wait3A_53 = tpu.memref_slice %arg4[%run_scoped3A, %dma_wait3A_52] : memref<32x1024xf32, #tpu.memory_space<vmem>> -> memref<1x16xf32, #tpu.memory_space<vmem>>
      %dma_wait3A_54 = tpu.memref_squeeze %dma_wait3A_53 : memref<1x16xf32, #tpu.memory_space<vmem>> -> memref<16xf32, #tpu.memory_space<vmem>>
      tpu.wait_dma2 semaphore(%run_scoped3A_30 : memref<!tpu.dma_semaphore, #tpu.memory_space<semaphore_mem>>) src(%dma_wait3A_54 : memref<16xf32, #tpu.memory_space<vmem>>) dst(%dma_wait3A_51 : memref<16xf32, #tpu.memory_space<hbm>>)
      tpu.yield
    }) : () -> ()
    return
  }
}

module attributes {stable_mosaic.version = 14 : i64} {
  func.func @_tc_body(%arg0: i32, %arg1: memref<2000x1024xf32, #tpu.memory_space<vmem>>, %arg2: memref<1024xf32, #tpu.memory_space<vmem>>, %arg3: memref<8x1024xf32, #tpu.memory_space<vmem>>) attributes {dimension_semantics = [#tpu.dimension_semantics<arbitrary>], iteration_bounds = array<i64: 38>, scalar_prefetch = 0 : i64, scratch_operands = 1 : i64, tpu.core_type = #tpu.core_type<tc>, window_params = [{transform_indices = @transform_0, window_bounds = array<i64: 2000, 1024>}, {pipeline_mode = #tpu.pipeline_mode<synchronous>, transform_indices = @transform_1, window_bounds = array<i64: 1024>}]} {
    %eq3A = arith.constant 0 : i32
    %eq3A_0 = arith.cmpi eq, %arg0, %eq3A : i32
    %convert_element_type3A = arith.extui %eq3A_0 : i1 to i32
    %cond3A = arith.constant 0 : i32
    %cond3A_1 = arith.cmpi ne, %convert_element_type3A, %cond3A : i32
    scf.if %cond3A_1 {
      %broadcast_in_dim3A = arith.constant 0.000000e+00 : f32
      %broadcast_in_dim3A_14 = vector.broadcast %broadcast_in_dim3A : f32 to vector<8x1024xf32>
      %swap3A_15 = arith.constant 0 : index
      %swap3A_16 = arith.constant 0 : index
      %swap3A_17 = vector.load %arg3[%swap3A_15, %swap3A_16] : memref<8x1024xf32, #tpu.memory_space<vmem>>, vector<8x1024xf32>
      tpu.vector_store %arg3[%swap3A_15, %swap3A_16], %broadcast_in_dim3A_14 {strides = array<i32>} : memref<8x1024xf32, #tpu.memory_space<vmem>>, vector<8x1024xf32>,
    } else {
    }
    %get3A = arith.constant 0 : index
    %get3A_2 = arith.constant 0 : index
    %get3A_3 = vector.load %arg3[%get3A, %get3A_2] : memref<8x1024xf32, #tpu.memory_space<vmem>>, vector<8x1024xf32>
    %get3A_4 = arith.constant 0 : index
    %get3A_5 = arith.constant 0 : index
    %get3A_6 = vector.load %arg1[%get3A_4, %get3A_5] : memref<2000x1024xf32, #tpu.memory_space<vmem>>, vector<8x1024xf32>
    %add3A = arith.addf %get3A_3, %get3A_6 : vector<8x1024xf32>
    %swap3A = arith.constant 0 : index
    %swap3A_7 = arith.constant 0 : index
    %swap3A_8 = vector.load %arg3[%swap3A, %swap3A_7] : memref<8x1024xf32, #tpu.memory_space<vmem>>, vector<8x1024xf32>
    tpu.vector_store %arg3[%swap3A, %swap3A_7], %add3A {strides = array<i32>} : memref<8x1024xf32, #tpu.memory_space<vmem>>, vector<8x1024xf32>,
    %eq3A_9 = arith.constant 37 : i32
    %eq3A_10 = arith.cmpi eq, %arg0, %eq3A_9 : i32
    %convert_element_type3A_11 = arith.extui %eq3A_10 : i1 to i32
    %cond3A_12 = arith.constant 0 : i32
    %cond3A_13 = arith.cmpi ne, %convert_element_type3A_11, %cond3A_12 : i32
    scf.if %cond3A_13 {
      %get3A_14 = arith.constant 0 : index
      %get3A_15 = arith.constant 0 : index
      %get3A_16 = vector.load %arg3[%get3A_14, %get3A_15] : memref<8x1024xf32, #tpu.memory_space<vmem>>, vector<1x1024xf32>
      %get3A_17 = vector.shape_cast %get3A_16 : vector<1x1024xf32> to vector<1024xf32>
      %swap3A_18 = arith.constant 0 : index
      %swap3A_19 = vector.load %arg2[%swap3A_18] : memref<1024xf32, #tpu.memory_space<vmem>>, vector<1024xf32>
      tpu.vector_store %arg2[%swap3A_18], %get3A_17 {strides = array<i32>} : memref<1024xf32, #tpu.memory_space<vmem>>, vector<1024xf32>,
    } else {
    }
    return
  }
  func.func @transform_0(%arg0: i32) -> (i32, i32) {
    %add3A = arith.constant 12 : i32
    %add3A_0 = arith.addi %arg0, %add3A : i32
    %c0_i32 = arith.constant 0 : i32
    %c0_i32_1 = arith.constant 0 : i32
    return %add3A_0, %c0_i32 : i32, i32
  }
  func.func @transform_1(%arg0: i32) -> i32 {
    %c0_i32 = arith.constant 0 : i32
    %c0_i32_0 = arith.constant 0 : i32
    return %c0_i32 : i32
  }
}

</mosaic_0001>

<sc_bundles>
// kernel: kernel.4.cloned.1.call-start
scs
__scs_entry_jumppad:
0x0: {  	(pc) =	sbr.rel $0x88, $3  }
0x1: {  	(tag) =	ssettag $0x0;
	lr =	simm.s32 $0x1  }
0x2: {  	[smem:$0x3FA0] =	sst lr;
	_ =	strace $0xD0000000  }
0x3: {  	_ = 	snop  }
0x4: {  	_ = 	snop  }
0x5: {  	_ = 	snop  }
0x6: {  	_ = 	snop  }
0x7: {  	_ = 	snop  }
__scs_overlays_trampoline_lowered:
0x8: {  	[smem:$0x3FAF] =	sst s0  }
0x9: {  	[smem:$0x3FB0] =	sst s1  }
0xa: {  	[smem:$0x3FB1] =	sst s2  }
0xb: {  	[smem:$0x3FB2] =	sst s3  }
0xc: {  	[smem:$0x3FB3] =	sst s4  }
0xd: {  	[smem:$0x3FB4] =	sst s5  }
0xe: {  	[smem:$0x3FB5] =	sst s6  }
0xf: {  	[smem:$0x3FB6] =	sst s7  }
0x10: {  	[smem:$0x3FB7] =	sst s8  }
0x11: {  	[smem:$0x3FB8] =	sst s9;
	s0 =	simm.s32 @!p0 $0x0  }
0x12: {  	s1 =	sld [smem:$0x3F9E];
	s0 =	simm.s32 @p0 $0x1  }
0x13: {  	[smem:$0x3FB9] =	sst s0;
	s0 =	simm.s32 @!p1 $0x0  }
0x14: {  	s2 =	sld [smem:$0x3F9D];
	s0 =	simm.s32 @p1 $0x1  }
0x15: {  	[smem:$0x3FBA] =	sst s0;
	s0 =	simm.s32 @!p2 $0x0  }
0x16: {  	s3 =	sld [smem:$0x3FDB];
	s0 =	simm.s32 @p2 $0x1  }
0x17: {  	s4 =	simm.s32 $0x1BF5;
	[smem:$0x3FBC] =	sst s0  }
0x18: {  	s0 =	sld [smem:$0x3F9F];
	_ =	swait.ge [sflag:s4], $0x0  }
0x19: {  	s7 =	sld [smem:$0x3FA0]  }
0x1a: {  	s8 =	sadd.s32 $0xFFFFE003, lr  }
0x1b: {  	s9 =	sadd.s32 $0xFFFFFEF7, lr;
	s5 =	simm.s32 $0xFFFFFFFF;
	p2 =	slt.u32 s8, $0xFFFFF086  }
0x1c: {  	p1 =	slt.u32 s9, $0xF7A;
	s5 =	simm.s32 @!p2 $0x0  }
0x1d: {  	s5 =	simm.s32 @p1 $0x1;
	p0 =	seq.s32 s7, s2  }
0x1e: {  	s7 =	smul.u32 @!p0 $0xF7A, s2;
	p2 =	seq.s32 @!p0 s5, $0x0  }
0x1f: {  	s9 =	smul.u32 $0xF7A, s1;
	s8 =	simm.s32 @!p0 $0x1BF5;
	p2 =	por !p2, p0  }
0x20: {  	[sflag:s8] =	ssyncset.s32 @!p0 $0xFFFFF086;
	s6 =	sadd.s32 @!p0 s3, s7;
	s7 =	simm.s32 @!p0 $0x108  }
0x21: {  	s3 =	sadd.s32 s3, s9;
	s6 =	sadd.s32 @!p0 $0x88, s6;
	s7 =	simm.s32 @p2 $0x1082  }
0x22: {  	[simem:s7], [sflag:s8] =	dma.local @!p0 [hbm:s6], $0xF7A  }
0x23: {  	s9 =	sor.u32 $0xD0000000, s2;
	s6 =	simm.s32 $0x108;
	_ =	swait.ge @!p0 [sflag:s8], $0x0  }
0x24: {  	s3 =	sadd.s32 $0x88, s3;
	s6 =	simm.s32 @!p1 $0x1082;
	[sflag:s4] =	ssyncset.s32 $0xFFFFF086  }
0x25: {  	[simem:s6], [sflag:s4] =	dma.local [hbm:s3], $0xF7A  }
0x26: {  	[smem:$0x3FA0] =	sst s1;
	(tag) =	ssettag s2;
	_ =	strace s9  }
0x27: {  	s1 =	sld [smem:$0x3FB0]  }
0x28: {  	s2 =	sld [smem:$0x3FB1]  }
0x29: {  	s4 =	sld [smem:$0x3FB3]  }
0x2a: {  	p0 =	seq.s32 s5, $0x0;
	s5 =	sld [smem:$0x3FB4]  }
0x2b: {  	s6 =	sld [smem:$0x3FB5]  }
0x2c: {  	s7 =	sld [smem:$0x3FB6]  }
0x2d: {  	s3 =	simm.s32 $0x108;
	s8 =	sld [smem:$0x3FB7]  }
0x2e: {  	s3 =	simm.s32 @!p0 $0x1082;
	s9 =	sld [smem:$0x3FB8]  }
0x2f: {  	lr =	sadd.s32 s0, s3;
	s0 =	sld [smem:$0x3FAF]  }
0x30: {  	s3 =	sld [smem:$0x3FB2]  }
0x31: {  	[smem:$0x3FBB] =	sst s10  }
0x32: {  	s10 =	sld [smem:$0x3FB9];
	_ =	sdelay $0x3  }
0x33: {  	p0 =	seq.s32 s10, $0x1;
	s10 =	sld [smem:$0x3FBB];
	_ =	sdelay $0x3  }
0x34: {  	[smem:$0x3FBB] =	sst s10  }
0x35: {  	s10 =	sld [smem:$0x3FBA];
	_ =	sdelay $0x3  }
0x36: {  	p1 =	seq.s32 s10, $0x1;
	s10 =	sld [smem:$0x3FBB];
	_ =	sdelay $0x3  }
0x37: {  	[smem:$0x3FBB] =	sst s10  }
0x38: {  	s10 =	sld [smem:$0x3FBC]  }
0x39: {  	_ = 	snop;
	(pc) =	sbr.ind lr, $3  }
0x3a: {  	_ = 	snop  }
0x3b: {  	_ = 	snop  }
0x3c: {  	p2 =	seq.s32 s10, $0x1;
	s10 =	sld [smem:$0x3FBB]  }
0x3d: {  	_ =	shalt  }
0x3e: {  	_ =	shalt  }
0x3f: {  	_ =	shalt  }
0x40: {  	_ =	shalt  }
0x41: {  	_ =	shalt  }
0x42: {  	_ =	shalt  }
0x43: {  	_ =	shalt  }
0x44: {  	_ =	shalt  }
0x45: {  	_ =	shalt  }
0x46: {  	_ =	shalt  }
0x47: {  	_ =	shalt  }
0x48: {  	_ =	shalt  }
0x49: {  	_ =	shalt  }
0x4a: {  	_ =	shalt  }
0x4b: {  	_ =	shalt  }
0x4c: {  	_ =	shalt  }
0x4d: {  	_ =	shalt  }
0x4e: {  	_ =	shalt  }
0x4f: {  	_ =	shalt  }
0x50: {  	_ =	shalt  }
0x51: {  	_ =	shalt  }
0x52: {  	_ =	shalt  }
0x53: {  	_ =	shalt  }
0x54: {  	_ =	shalt  }
0x55: {  	_ =	shalt  }
0x56: {  	_ =	shalt  }
0x57: {  	_ =	shalt  }
0x58: {  	_ =	shalt  }
0x59: {  	_ =	shalt  }
0x5a: {  	_ =	shalt  }
0x5b: {  	_ =	shalt  }
0x5c: {  	_ =	shalt  }
0x5d: {  	_ =	shalt  }
0x5e: {  	_ =	shalt  }
0x5f: {  	_ =	shalt  }
0x60: {  	_ =	shalt  }
0x61: {  	_ =	shalt  }
0x62: {  	_ =	shalt  }
0x63: {  	_ =	shalt  }
0x64: {  	_ =	shalt  }
0x65: {  	_ =	shalt  }
0x66: {  	_ =	shalt  }
0x67: {  	_ =	shalt  }
0x68: {  	_ =	shalt  }
0x69: {  	_ =	shalt  }
0x6a: {  	_ =	shalt  }
0x6b: {  	_ =	shalt  }
0x6c: {  	_ =	shalt  }
0x6d: {  	_ =	shalt  }
0x6e: {  	_ =	shalt  }
0x6f: {  	_ =	shalt  }
0x70: {  	_ =	shalt  }
0x71: {  	_ =	shalt  }
0x72: {  	_ =	shalt  }
0x73: {  	_ =	shalt  }
0x74: {  	_ =	shalt  }
0x75: {  	_ =	shalt  }
0x76: {  	_ =	shalt  }
0x77: {  	_ =	shalt  }
0x78: {  	_ =	shalt  }
0x79: {  	_ =	shalt  }
0x7a: {  	_ =	shalt  }
0x7b: {  	_ =	shalt  }
0x7c: {  	_ =	shalt  }
0x7d: {  	_ =	shalt  }
0x7e: {  	_ =	shalt  }
0x7f: {  	_ =	shalt  }
0x80: {  	_ =	shalt  }
0x81: {  	_ =	shalt  }
0x82: {  	_ =	shalt  }
0x83: {  	_ =	shalt  }
0x84: {  	_ =	shalt  }
0x85: {  	_ =	shalt  }
0x86: {  	_ =	shalt  }
0x87: {  	_ =	shalt  }
.Lfunc_end0:
.L_simem_size_0:
called_computation_lowered:
.L_overlay_start_0:
0x88: {  	s2 =	sld [smem:$0x3FD9]  }
0x89: {  	s3 =	sld [smem:$0x3FFE];
	_ =	sdelay $0x1  }
0x8a: {  	s1 =	srdreg.scid  }
0x8b: {  	s0 =	sand.u32 $0x1, s1  }
0x8c: {  	s16 =	sshll.u32 s0, $0xA;
	s2 =	sadd.s32 s3, s2  }
0x8d: {  	s2 =	sadd.s32 s2, s16  }
0x8e: {  	[smem:$0x3FC7] =	sst s2  }
0x8f: {  	_ = 	snop  }
0x90: {  	(tm) =	ssettm $0x1  }
0x91: {  	s17 =	sld [smem:$0x3FFB];
	_ =	sdelay $0x3  }
0x92: {  	_ =	strace s17  }
0x93: {  	s2 =	sld [smem:$0x3FFC];
	_ =	sdelay $0x3  }
0x94: {  	_ =	strace s2  }
0x95: {  	s2 =	sld [smem:$0x3FFD];
	_ =	sdelay $0x3  }
0x96: {  	_ =	strace s2  }
0x97: {  	_ =	strace $0x8FFFFFFF  }
0x98: {  	s18 =	sld [smem:$0x3FDB];
	_ =	sdelay $0x1  }
0x99: {  	s19 =	simm.s32 $_scs_section_size  }
0x9a: {  	s4 =	simm.s32 $_size__tile_overlayer_lowered;
	s5 =	simm.s32 $_tile_overlayer_lowered  }
0x9b: {  	s22 =	simm.s32 $0x1BFF;
	s21 =	sshll.u32 s5, $0x1;
	s2 =	sadd.s32 s19, s18  }
0x9c: {  	s6 =	simm.s32 $0x0;
	s20 =	sshll.u32 s4, $0x1;
	s4 =	sadd.s32 s21, s2  }
0x9d: {  	[timem:s6], [sflag:s22] =	dma.local [hbm:s4], s20  }
0x9e: {  	_ =	swait.ge [sflag:s22], s20  }
0x9f: {  	s3 =	ssub.s32 $0x0, s20;
	[sflag:s22] =	ssyncset.done $0x0  }
0xa0: {  	[sflag:s22] =	ssyncadd.s32 s3;
	_ =	sdelay $0x1  }
0xa1: {  	s23 =	simm.s32 $0x1B8B  }
0xa2: {  	_ =	swait.ge [sflag:s23], $0x1  }
0xa3: {  	[sflag:s23] =	ssyncset.done $0x0  }
0xa4: {  	s25 =	simm.s32 $0x1B8E;
	s24 =	sld [smem:$0x3FFE];
	[sflag:s23] =	ssyncadd.s32 $0xFFFFFFFF  }
0xa5: {  	s26 =	simm.s32 $execute0_lowered;
	[smem:$0x3FD2] =	sst s25  }
0xa6: {  	s4 =	sshll.u32 s26, $0x1;
	_ =	strace $0x80000046;
	[dreg:$0x1] =	wrdreg $0xFFFFFFFF  }
0xa7: {  	s28 =	simm.s32 $_size_execute0_lowered;
	s2 =	sadd.s32 s2, s4;
	[dreg:$0x0] =	wrdreg $0x0  }
0xa8: {  	s4 =	sshll.u32 s28, $0x1;
	[dreg:$0x2] =	wrdreg s2  }
0xa9: {  	[dreg:$0x3] =	wrdreg s4  }
0xaa: {  	[dreg:$0x4] =	wrdreg $0xC0  }
0xab: {  	_ =	task [dreg:s6], $0x5FFFF  }
0xac: {  	[dreg:$0x1] =	wrdreg $0xFFFFFFFF  }
0xad: {  	[dreg:$0x0] =	wrdreg $0x60  }
0xae: {  	[dreg:$0x2] =	wrdreg s24  }
0xaf: {  	[dreg:$0x3] =	wrdreg $0x9  }
0xb0: {  	_ =	task.clear_ibuf [dreg:s6], $0x4FFFF;
	_ =	strace $0x90000046  }
0xb1: {  	s29 =	simm.s32 $0x9;
	_ =	strace $0x80000048  }
0xb2: {  	_ =	swait.ge [sflag:s29], $0x1  }
0xb3: {  	[sflag:s29] =	ssyncadd.s32 $0xFFFFFFFF  }
0xb4: {  	_ =	strace $0x90000048  }
0xb5: {  	_ =	sfence  }
0xb6: {  	s30 =	sld [smem:$0x0];
	_ =	sdelay $0x2  }
0xb7: {  	s31 =	sshll.u32 s1, $0xD;
	s1 =	sshrl.u32 s1, $0x2  }
0xb8: {  	s3 =	sand.u32 $0x4000, s31;
	s1 =	sadd.s32 s1, s30  }
0xb9: {  	s0 =	sor.u32 s3, s0;
	s1 =	sshll.u32 s1, $0x11  }
0xba: {  	s0 =	sor.u32 s1, s0  }
0xbb: {  	s0 =	sadd.s32 $0x8F2B, s0  }
0xbc: {  	[sflag:s0] =	ssyncadd.remote.s32 $0x1  }
0xbd: {  	_ =	sfence.sel $0xFFFF  }
0xbe: {  	[dreg:$0x0] =	wrdreg $0xFFFFFFFF;
	(pc) =	sbr.abs _section_cstart, $3  }
0xbf: {  	[dreg:$0x1] =	wrdreg $0xFFFFFFFF  }
0xc0: {  	_ =	task.clear_ibuf [dreg:s6], $0x2FFFF;
	_ =	strace $0x9FFFFFFF  }
0xc1: {  	(tm) =	ssettm $0x7FFFFFFF  }
tec
execute0_lowered:
.L_overlay_start_1:
0x0: {  	(tag) =	ssettag $0x1  }
0x1: {  	s3 =	rddreg [dreg:$0x0]  }
0x2: {  	s0 =	rddreg [dreg:$0x1]  }
0x3: {  	s2 =	simm.s32 $0x0;
	s4 =	srdreg.scid;
	s1 =	stileid.u32  }
0x4: {  	s11 =	simm.s32 $0x80;
	s12 =	simm.s32 $0x400;
	s13 =	simm.s32 $0x3  }
0x5: {  	s14 =	simm.s32 $0x0;
	[smem:$0x7FF] =	sst s2;
	s4 =	sand.u32 $0x1, s4  }
0x6: {  	s5 =	sshll.u32 s1, $0x1;
	s6 =	sadd.s32 $0x400, s3;
	s9 =	smul.u32 $0x30000, s1  }
0x7: {  	_ =	strace $0x80000047;
	s5 =	sor.u32 s4, s5;
	s10 =	smul.u32 $0x18000, s4  }
0x8: {  	s8 =	ssub.s32 $0x2, s4;
	s7 =	sshll.u32 s5, $0x4;
	s5 =	smul.u32 $0x18000, s5  }
0x9: {  	s30 =	sshrl.u32 s8, $0x1;
	s31 =	sadd.s32 s9, s6;
	s9 =	simm.s32 $0x1  }
0xa: {  	s7 =	sadd.s32 s7, s3;
	s8 =	ssub.s32 s8, s30;
	s3 =	sadd.s32 s6, s5  }
0xb: {  	s5 =	sadd.s32 $0x300400, s7;
	s6 =	smax.u32 s8, $0x1;
	s7 =	sadd.s32 s10, s31  }
0xc: {  	s8 =	simm.s32 $0x8000;
	s10 =	simm.s32 $0x2;
	s4 =	sadd.s32 $0x1000, s3  }
.LBB2_1:
0xd: {  	[tilespmem:s2], [sflag:$0x1] =	stream.linear.gather [hbm4b:s3+s2], $0x8000, $0x38;
	[tilespmem:$0x10000] =	vst v63  }
0xe: {  	_ = 	snop  }
0xf: {  	[tilespmem:s8], [sflag:$0x2] =	stream.linear.gather [hbm4b:s4+s2], $0x8000, $0x38;
	[tilespmem:$0x10000] =	vst v63  }
0x10: {  	_ =	swait.ge [sflag:s9], $0x8000  }
0x11: {  	s16 =	sadd.s32 $0xFFFEA000, s7;
	[sflag:s9] =	ssyncset.done $0x0  }
0x12: {  	s15 =	sadd.s32 $0x18000, s16;
	[sflag:s9] =	ssyncadd.s32 $0xFFFF8000  }
0x13: {  	[tilespmem:s2], [sflag:$0x1] =	stream.linear.gather [hbm4b:s15+s2], $0x8000, $0x38;
	[tilespmem:$0x10000] =	vst v63  }
0x14: {  	_ =	swait.ge [sflag:s10], $0x8000  }
0x15: {  	[sflag:s10] =	ssyncset.done $0x0  }
0x16: {  	s16 =	sadd.s32 $0x19000, s16;
	s15 =	simm.s32 $0xFFFEC000;
	[sflag:s10] =	ssyncadd.s32 $0xFFFF8000  }
.LBB2_2:
0x17: {  	[tilespmem:s8], [sflag:$0x2] =	stream.linear.gather [hbm4b:s16+s2], $0x8000, $0x38;
	[tilespmem:$0x10000] =	vst v63  }
0x18: {  	s16 =	smov.u32 s15  }
0x19: {  	p0 =	sne.s32 s15, $0xFFFFE000;
	s15 =	sadd.s32 $0x2000, s15;
	_ =	swait.ge [sflag:s9], $0x8000  }
0x1a: {  	s16 =	sadd.s32 s16, s7;
	[sflag:s9] =	ssyncset.done $0x0  }
.Ltmp0:
0x1b: {  	s17 =	sadd.s32 $0x18000, s16;
	[sflag:s9] =	ssyncadd.s32 $0xFFFF8000;
	(pc) =	sbr.rel @p0 .LBB2_2-.Ltmp0, $4  }
0x1c: {  	[tilespmem:s2], [sflag:$0x1] =	stream.linear.gather [hbm4b:s17+s2], $0x8000, $0x38;
	[tilespmem:$0x10000] =	vst v63  }
0x1d: {  	_ =	swait.ge [sflag:s10], $0x8000  }
0x1e: {  	[sflag:s10] =	ssyncset.done $0x0  }
0x1f: {  	s16 =	sadd.s32 $0x19000, s16;
	[sflag:s10] =	ssyncadd.s32 $0xFFFF8000  }
0x20: {  	[tilespmem:s8], [sflag:$0x2] =	stream.linear.gather [hbm4b:s16+s2], $0x8000, $0x38;
	[tilespmem:$0x10000] =	vst v63  }
0x21: {  	_ =	swait.ge [sflag:s9], $0x8000  }
0x22: {  	[sflag:s9] =	ssyncset.done $0x0  }
0x23: {  	[sflag:s9] =	ssyncadd.s32 $0xFFFF8000  }
0x24: {  	_ =	swait.ge [sflag:s10], $0x8000  }
0x25: {  	s14 =	sadd.s32 $0x1, s14;
	[sflag:s10] =	ssyncset.done $0x0  }
0x26: {  	p0 =	sne.s32 s14, s6;
	[sflag:s10] =	ssyncadd.s32 $0xFFFF8000  }
0x27: {  	[hbm4b:s5+s11] =	stream.strided.scatter [tilespmem:s2], [sflag:$0x3], $0x0, s12, s11, $0x38;
	[tilespmem:$0x10000] =	vst v63  }
.Ltmp1:
0x28: {  	_ = 	snop;
	(pc) =	sbr.rel @p0 .LBB2_1-.Ltmp1, $4  }
0x29: {  	[hbm4b:s5+s2] =	stream.linear.scatter [tilespmem:s2], [sflag:$0x3], $0x10, $0x38;
	[tilespmem:$0x10000] =	vst v63  }
0x2a: {  	_ =	swait.ge [sflag:s13], $0x10  }
0x2b: {  	[sflag:s13] =	ssyncset.done $0x0  }
0x2c: {  	[sflag:s13] =	ssyncadd.s32 $0xFFFFFFF0  }
0x2d: {  	_ =	sfence.sel $0x180000  }
0x2e: {  	[bflag:$0x0] =	sbarrier.arrive $0xFFFF  }
0x2f: {  	p0 =	sne.s32 s1, $0x0;
	_ =	strace $0x90000047  }
0x30: {  	s0 =	sadd.s32 @!p0 $0x100000, s0;
	[bflag:$0x2] =	sbarrier.arrive $0xFFFF  }
0x31: {  	[sflag:s0] =	ssyncadd.tile.s32 @!p0 $0x1;
	_ =	shalt  }
.Lfunc_end2:
_tile_overlayer_lowered:
.L_overlay_start_2:
0x32: {  	(tag) =	ssettag $0x2  }
0x33: {  	s0 =	rddreg [dreg:$0x0];
	s2 =	stileid.u32  }
0x34: {  	s1 =	rddreg [dreg:$0x1];
	p0 =	sne.s32 s2, $0x0  }
0x35: {  	s3 =	rddreg [dreg:$0x2];
	[bflag:$0x3] =	sbarrier.arrive $0xFFFF;
	s2 =	simm.s32 @!p0 $0x1C03  }
0x36: {  	[timem:s3], [sflag:s2] =	dma.local @!p0 [hbm:s0], s1  }
0x37: {  	s0 =	simm.s32 @!p0 $0x3  }
0x38: {  	_ =	swait.ge @!p0 [sflag:s0], s1  }
0x39: {  	s1 =	ssub.s32 @!p0 $0x0, s1;
	[sflag:s0] =	ssyncset.done @!p0 $0x0  }
0x3a: {  	[sflag:s0] =	ssyncadd.s32 @!p0 s1  }
0x3b: {  	[bflag:$0x3] =	sbarrier.arrive $0xFFFF  }
0x3c: {  	_ =	shalt  }

</sc_bundles>
